<compile_context>
chip_gen: v7x
topology: tpu7x:2x2x1
jax: 0.10.2.dev20260603
libtpu: 0.0.44.dev20260713+nightly
codegen_flags: <defaults>
</compile_context>

<pallas_src>
import jax
import jax.numpy as jnp
import numpy as np
from jax.experimental import pallas as pl
from jax.experimental.pallas import tpu as pltpu

_CUTOFF_UPPER = 5.0
_CUTOFF_LOWER = 0.0
_NUM_RBF = 32
_PACK = 4
_LANES = _NUM_RBF * _PACK

_ALPHA = 5.0 / (_CUTOFF_UPPER - _CUTOFF_LOWER)
_START = float(np.exp(-(_CUTOFF_UPPER - _CUTOFF_LOWER)))
_BETA = float((2.0 / _NUM_RBF * (1.0 - _START)) ** -2)
_MEANS = np.linspace(_START, 1.0, _NUM_RBF, dtype=np.float32)
_MEANS_TILED = np.tile(_MEANS, _PACK)[None, :].astype(np.float32)

_SPREAD = np.zeros((8, _LANES), dtype=np.float32)
for _g in range(_PACK):
    _tgt = (_PACK - 1 - _g) * _NUM_RBF
    _SPREAD[_g, _tgt:_tgt + _NUM_RBF] = 1.0
    _SPREAD[_PACK + _g, _tgt:_tgt + _NUM_RBF] = 1.0

_SIN_COEF = np.array([
    0.99999999724, -0.16666654883, 8.3330235860e-3,
    -1.9807418035e-4, 2.6019030676e-6], dtype=np.float64)
_S = np.pi / _CUTOFF_UPPER
_CUT_COEF = (-0.5 * _SIN_COEF *
             _S ** (2 * np.arange(5) + 1)).astype(np.float32)
_HALF_CUT = float(_CUTOFF_UPPER / 2.0)


def _rbf_kernel(d_ref, spread_ref, means_ref, o_ref):
    crows = o_ref.shape[0]
    rows = crows * _NUM_RBF
    d_c = d_ref[...]
    w = jnp.broadcast_to(d_c[:, None, :], (crows, _NUM_RBF, _LANES))
    w = w.reshape(rows, _LANES)
    v = pltpu.roll(w, shift=0, axis=1, stride=_PACK, stride_axis=0)
    v4 = v[:, _LANES - _PACK:]
    hi = v4.astype(jnp.bfloat16)
    lo = (v4 - hi.astype(jnp.float32)).astype(jnp.bfloat16)
    hl = jnp.concatenate([hi, lo], axis=1)
    d_full = jax.lax.dot_general(
        hl, spread_ref[...],
        (((1,), (0,)), ((), ())),
        preferred_element_type=jnp.float32)
    t = jnp.exp(-d_full)
    rbf = jnp.exp(-_BETA * (t - means_ref[...]) ** 2)
    z = d_full - _HALF_CUT
    z2 = z * z
    p = jnp.float32(_CUT_COEF[4])
    p = p * z2 + jnp.float32(_CUT_COEF[3])
    p = p * z2 + jnp.float32(_CUT_COEF[2])
    p = p * z2 + jnp.float32(_CUT_COEF[1])
    p = p * z2 + jnp.float32(_CUT_COEF[0])
    cut = p * z + 0.5
    cut = jnp.where(z < _HALF_CUT, cut, 0.0)
    res = rbf * cut
    o_ref[...] = res.reshape(crows, _NUM_RBF, _LANES)


def kernel(d_ij, r_ij, pair_indices, atomic_numbers):
    del r_ij, pair_indices, atomic_numbers
    e = d_ij.shape[0]
    block_rows = 6400
    chunk = _PACK * block_rows
    e_pad = -(-e // chunk) * chunk
    d_flat = d_ij.reshape(e)
    if e_pad != e:
        d_flat = jnp.pad(d_flat, (0, e_pad - e))
    rows = e_pad // _PACK
    d_c = d_flat.reshape(e_pad // 128, 128)[:, ::-1]
    out = pl.pallas_call(
        _rbf_kernel,
        grid=(rows // block_rows,),
        in_specs=[
            pl.BlockSpec((_PACK * block_rows // 128, 128), lambda i: (i, 0)),
            pl.BlockSpec((8, _LANES), lambda i: (0, 0)),
            pl.BlockSpec((1, _LANES), lambda i: (0, 0)),
        ],
        out_specs=pl.BlockSpec(
            (block_rows // _NUM_RBF, _NUM_RBF, _LANES), lambda i: (i, 0, 0)),
        out_shape=jax.ShapeDtypeStruct(
            (rows // _NUM_RBF, _NUM_RBF, _LANES), jnp.float32),
        compiler_params=pltpu.CompilerParams(
            dimension_semantics=("arbitrary",)),
    )(d_c, jnp.asarray(_SPREAD, dtype=jnp.bfloat16), jnp.asarray(_MEANS_TILED))
    out = out.reshape(e_pad, _NUM_RBF)
    if e_pad != e:
        out = out[:e]
    return out

# --- scband reference (transcript-rebuilt; emitter-appended) ---
"""Pipeline reference for scband-tensor-net-representation-36120674959403 (READ-ONLY COPY).

The authoritative reference and input builder live on the scoring server;
editing this copy changes nothing except your own understanding.
"""

import jax, jax.numpy as jnp
import numpy as np

CUTOFF_UPPER = 5.0
CUTOFF_LOWER = 0.0
NUM_RBF = 32
N_NODES = 100000
N_EDGES = 3200000
MAX_Z = 128


def setup_inputs(seed: int = 0) -> dict:
    key = jax.random.key(seed)
    k1, k2, k3, k4 = jax.random.split(key, 4)
    # distances in (0, cutoff]
    d_ij = jax.random.uniform(k1, (N_EDGES, 1), dtype=jnp.float32, minval=0.05, maxval=CUTOFF_UPPER)
    r_ij = jax.random.normal(k2, (N_EDGES, 3), dtype=jnp.float32)
    pair_indices = jax.random.randint(k3, (2, N_EDGES), 0, N_NODES, dtype=jnp.int64 if jax.config.jax_enable_x64 else jnp.int32)
    atomic_numbers = jax.random.randint(k4, (N_NODES,), 0, MAX_Z, dtype=jnp.int64 if jax.config.jax_enable_x64 else jnp.int32)
    return {"d_ij": d_ij, "r_ij": r_ij, "pair_indices": pair_indices, "atomic_numbers": atomic_numbers}


def _radial_symmetry_function(d):
    # TensorNet exp-normal smearing (non-trainable): exp(-beta*(exp(alpha*(-d + r_low)) - means)^2)
    alpha = 5.0 / (CUTOFF_UPPER - CUTOFF_LOWER)
    start_value = float(np.exp(-(CUTOFF_UPPER - CUTOFF_LOWER)))
    means = jnp.linspace(start_value, 1.0, NUM_RBF, dtype=jnp.float32)
    betas = jnp.full((NUM_RBF,), (2.0 / NUM_RBF * (1.0 - start_value)) ** -2, dtype=jnp.float32)
    # d: [E, 1]; broadcast against [NUM_RBF] -> [E, NUM_RBF]
    return jnp.exp(-betas * (jnp.exp(alpha * (-d + CUTOFF_LOWER)) - means) ** 2)


def _cosine_cutoff(d):
    # CosineCutoff: 0.5*(cos(pi*d/rc)+1) for d < rc else 0
    c = 0.5 * (jnp.cos(d * jnp.pi / CUTOFF_UPPER) + 1.0)
    return c * (d < CUTOFF_UPPER).astype(d.dtype)


def reference(d_ij, r_ij, pair_indices, atomic_numbers):
    # Faithful translation of the provided forward body:
    #   radial_feature_vector = self.radial_symmetry_function(data.d_ij)
    #   rcut_ij = self.cutoff_module(data.d_ij)
    #   radial_feature_vector = radial_feature_vector * rcut_ij
    radial_feature_vector = _radial_symmetry_function(d_ij)  # [E, NUM_RBF]
    rcut_ij = _cosine_cutoff(d_ij)  # [E, 1]
    radial_feature_vector = radial_feature_vector * rcut_ij  # [E, NUM_RBF]
    return radial_feature_vector

if __name__ == "__main__":
    import jax
    _d = setup_inputs()
    print(jax.jit(kernel)(*tuple(_d.values())))

</pallas_src>

<mosaic_0001>
module attributes {stable_mosaic.version = 14 : i64} {
  func.func @_rbf_kernel(%arg0: i32, %arg1: memref<200x128xf32, #tpu.memory_space<vmem>>, %arg2: memref<8x128xbf16, #tpu.memory_space<vmem>>, %arg3: memref<1x128xf32, #tpu.memory_space<vmem>>, %arg4: memref<200x32x128xf32, #tpu.memory_space<vmem>>) attributes {dimension_semantics = [#tpu.dimension_semantics<arbitrary>], iteration_bounds = array<i64: 125>, scalar_prefetch = 0 : i64, scratch_operands = 0 : i64, tpu.core_type = #tpu.core_type<tc>, window_params = [{transform_indices = @transform_0, window_bounds = array<i64: 200, 128>}, {pipeline_mode = #tpu.pipeline_mode<synchronous>, transform_indices = @transform_1, window_bounds = array<i64: 8, 128>}, {pipeline_mode = #tpu.pipeline_mode<synchronous>, transform_indices = @transform_2, window_bounds = array<i64: 1, 128>}, {transform_indices = @transform_3, window_bounds = array<i64: 200, 32, 128>}]} {
    %get3A = arith.constant 0 : index
    %get3A_0 = arith.constant 0 : index
    %get3A_1 = vector.load %arg1[%get3A, %get3A_0] : memref<200x128xf32, #tpu.memory_space<vmem>>, vector<200x128xf32>
    %broadcast_in_dim3A = vector.shape_cast %get3A_1 : vector<200x128xf32> to vector<200x1x128xf32>
    %broadcast_in_dim3A_2 = vector.shape_cast %broadcast_in_dim3A : vector<200x1x128xf32> to vector<200x1x128xf32>
    %broadcast_in_dim3A_3 = vector.broadcast %broadcast_in_dim3A_2 : vector<200x1x128xf32> to vector<200x32x128xf32>
    %reshape3A = vector.shape_cast %broadcast_in_dim3A_3 : vector<200x32x128xf32> to vector<6400x128xf32>
    %roll3A = arith.constant 0 : i32
    %roll3A_4 = tpu.dynamic_rotate %reshape3A by %roll3A dim 1 {stride = 4 : si32, stride_dimension = 0 : si32} : vector<6400x128xf32>, i32 -> vector<6400x128xf32>
    %slice3A = vector.extract_strided_slice %roll3A_4 {offsets = [0, 124], sizes = [6400, 4], strides = [1, 1]} : vector<6400x128xf32> to vector<6400x4xf32>
    %convert_element_type3A = arith.truncf %slice3A : vector<6400x4xf32> to vector<6400x4xbf16>
    %convert_element_type3A_5 = arith.extf %convert_element_type3A : vector<6400x4xbf16> to vector<6400x4xf32>
    %sub3A = arith.subf %slice3A, %convert_element_type3A_5 : vector<6400x4xf32>
    %convert_element_type3A_6 = arith.truncf %sub3A : vector<6400x4xf32> to vector<6400x4xbf16>
    %concatenate3A = tpu.concatenate %convert_element_type3A, %convert_element_type3A_6 in 1 : vector<6400x4xbf16>, vector<6400x4xbf16> -> vector<6400x8xbf16>
    %get3A_7 = arith.constant 0 : index
    %get3A_8 = arith.constant 0 : index
    %get3A_9 = vector.load %arg2[%get3A_7, %get3A_8] : memref<8x128xbf16, #tpu.memory_space<vmem>>, vector<8x128xbf16>
    %dot_general3A = arith.constant dense<0.000000e+00> : vector<6400x128xf32>
    %dot_general3A_10 = tpu.matmul %concatenate3A, %get3A_9, %dot_general3A {dimension_numbers = #tpu.dot_dimension_numbers<[1], [0], [0], [1], [0, 0, 1, 1], [], []>, transpose_lhs_hint = false} : vector<6400x8xbf16>, vector<8x128xbf16>, vector<6400x128xf32> -> vector<6400x128xf32>
    %neg3A = arith.constant 0.000000e+00 : f32
    %neg3A_11 = vector.broadcast %neg3A : f32 to vector<6400x128xf32>
    %neg3A_12 = arith.subf %neg3A_11, %dot_general3A_10 : vector<6400x128xf32>
    %exp3A = math.exp %neg3A_12 : vector<6400x128xf32>
    %get3A_13 = arith.constant 0 : index
    %get3A_14 = arith.constant 0 : index
    %get3A_15 = vector.load %arg3[%get3A_13, %get3A_14] : memref<1x128xf32, #tpu.memory_space<vmem>>, vector<1x128xf32>
    %sub3A_16 = vector.broadcast %get3A_15 : vector<1x128xf32> to vector<6400x128xf32>
    %sub3A_17 = arith.subf %exp3A, %sub3A_16 : vector<6400x128xf32>
    %integer_pow3A = arith.mulf %sub3A_17, %sub3A_17 : vector<6400x128xf32>
    %mul3A = arith.constant -259.485016 : f32
    %mul3A_18 = vector.broadcast %mul3A : f32 to vector<6400x128xf32>
    %mul3A_19 = arith.mulf %mul3A_18, %integer_pow3A : vector<6400x128xf32>
    %exp3A_20 = math.exp %mul3A_19 : vector<6400x128xf32>
    %sub3A_21 = arith.constant 2.500000e+00 : f32
    %sub3A_22 = vector.broadcast %sub3A_21 : f32 to vector<6400x128xf32>
    %sub3A_23 = arith.subf %dot_general3A_10, %sub3A_22 : vector<6400x128xf32>
    %mul3A_24 = arith.mulf %sub3A_23, %sub3A_23 : vector<6400x128xf32>
    %mul3A_25 = arith.constant -1.98554595E-8 : f32
    %mul3A_26 = vector.broadcast %mul3A_25 : f32 to vector<6400x128xf32>
    %mul3A_27 = arith.mulf %mul3A_26, %mul3A_24 : vector<6400x128xf32>
    %add3A = arith.constant 3.82874941E-6 : f32
    %add3A_28 = vector.broadcast %add3A : f32 to vector<6400x128xf32>
    %add3A_29 = arith.addf %mul3A_27, %add3A_28 : vector<6400x128xf32>
    %mul3A_30 = arith.mulf %add3A_29, %mul3A_24 : vector<6400x128xf32>
    %add3A_31 = arith.constant -4.08011081E-4 : f32
    %add3A_32 = vector.broadcast %add3A_31 : f32 to vector<6400x128xf32>
    %add3A_33 = arith.addf %mul3A_30, %add3A_32 : vector<6400x128xf32>
    %mul3A_34 = arith.mulf %add3A_33, %mul3A_24 : vector<6400x128xf32>
    %add3A_35 = arith.constant 0.0206708368 : f32
    %add3A_36 = vector.broadcast %add3A_35 : f32 to vector<6400x128xf32>
    %add3A_37 = arith.addf %mul3A_34, %add3A_36 : vector<6400x128xf32>
    %mul3A_38 = arith.mulf %add3A_37, %mul3A_24 : vector<6400x128xf32>
    %add3A_39 = arith.constant -0.314159274 : f32
    %add3A_40 = vector.broadcast %add3A_39 : f32 to vector<6400x128xf32>
    %add3A_41 = arith.addf %mul3A_38, %add3A_40 : vector<6400x128xf32>
    %mul3A_42 = arith.mulf %add3A_41, %sub3A_23 : vector<6400x128xf32>
    %add3A_43 = arith.constant 5.000000e-01 : f32
    %add3A_44 = vector.broadcast %add3A_43 : f32 to vector<6400x128xf32>
    %add3A_45 = arith.addf %mul3A_42, %add3A_44 : vector<6400x128xf32>
    %lt3A = arith.constant 2.500000e+00 : f32
    %lt3A_46 = vector.broadcast %lt3A : f32 to vector<6400x128xf32>
    %lt3A_47 = arith.cmpf olt, %sub3A_23, %lt3A_46 : vector<6400x128xf32>
    %jit3A = arith.constant 0.000000e+00 : f32
    %broadcast_in_dim3A_48 = vector.broadcast %jit3A : f32 to vector<6400x128xf32>
    %select_n3A = arith.select %lt3A_47, %add3A_45, %broadcast_in_dim3A_48 : vector<6400x128xi1>, vector<6400x128xf32>
    %mul3A_49 = arith.mulf %exp3A_20, %select_n3A : vector<6400x128xf32>
    %reshape3A_50 = vector.shape_cast %mul3A_49 : vector<6400x128xf32> to vector<200x32x128xf32>
    %swap3A = arith.constant 0 : index
    %swap3A_51 = arith.constant 0 : index
    %swap3A_52 = arith.constant 0 : index
    %swap3A_53 = vector.load %arg4[%swap3A, %swap3A_51, %swap3A_52] : memref<200x32x128xf32, #tpu.memory_space<vmem>>, vector<200x32x128xf32>
    tpu.vector_store %arg4[%swap3A, %swap3A_51, %swap3A_52], %reshape3A_50 {strides = array<i32>} : memref<200x32x128xf32, #tpu.memory_space<vmem>>, vector<200x32x128xf32>,
    return
  }
  func.func @transform_0(%arg0: i32) -> (i32, i32) {
    %c0_i32 = arith.constant 0 : i32
    %c0_i32_0 = arith.constant 0 : i32
    return %arg0, %c0_i32 : i32, i32
  }
  func.func @transform_1(%arg0: i32) -> (i32, i32) {
    %c0_i32 = arith.constant 0 : i32
    %c0_i32_0 = arith.constant 0 : i32
    %c0_i32_1 = arith.constant 0 : i32
    return %c0_i32, %c0_i32_0 : i32, i32
  }
  func.func @transform_2(%arg0: i32) -> (i32, i32) {
    %c0_i32 = arith.constant 0 : i32
    %c0_i32_0 = arith.constant 0 : i32
    %c0_i32_1 = arith.constant 0 : i32
    return %c0_i32, %c0_i32_0 : i32, i32
  }
  func.func @transform_3(%arg0: i32) -> (i32, i32, i32) {
    %c0_i32 = arith.constant 0 : i32
    %c0_i32_0 = arith.constant 0 : i32
    %c0_i32_1 = arith.constant 0 : i32
    return %arg0, %c0_i32, %c0_i32_0 : i32, i32, i32
  }
}

</mosaic_0001>

<sc_bundles>
// kernel: sparse-core-data-format-call.cloned.1.call-start
scs
called_computation_lowered:
.L_overlay_start_0:
0x0: {  	s2 =	sld [smem:$0x3FD9]  }
0x1: {  	s3 =	sld [smem:$0x3FFE];
	_ =	sdelay $0x1  }
0x2: {  	s1 =	srdreg.scid  }
0x3: {  	s0 =	sand.u32 $0x1, s1  }
0x4: {  	s18 =	sshll.u32 s0, $0xA;
	s2 =	sadd.s32 s3, s2  }
0x5: {  	s2 =	sadd.s32 s2, s18  }
0x6: {  	[smem:$0x3FC7] =	sst s2  }
0x7: {  	_ = 	snop  }
0x8: {  	s2 =	sld [smem:$0x3FD0];
	(tm) =	ssettm $0x1  }
0x9: {  	s19 =	sld [smem:$0x3FFB];
	_ =	sdelay $0x3  }
0xa: {  	_ =	strace s19  }
0xb: {  	s3 =	sld [smem:$0x3FFC];
	_ =	sdelay $0x3  }
0xc: {  	_ =	strace s3  }
0xd: {  	s3 =	sld [smem:$0x3FFD];
	_ =	sdelay $0x3  }
0xe: {  	_ =	strace s3  }
0xf: {  	_ =	strace $0x8FFFFFFF  }
0x10: {  	s20 =	sld [smem:$0x3FDB];
	_ =	sdelay $0x1  }
0x11: {  	s4 =	simm.s32 $_scs_section_size  }
0x12: {  	s5 =	simm.s32 $_size__tile_overlayer_lowered;
	s6 =	simm.s32 $_tile_overlayer_lowered  }
0x13: {  	s23 =	simm.s32 $0x1BFF;
	s22 =	sshll.u32 s6, $0x1;
	s3 =	sadd.s32 s4, s20  }
0x14: {  	s7 =	simm.s32 $0x0;
	s21 =	sshll.u32 s5, $0x1;
	s5 =	sadd.s32 s22, s3  }
0x15: {  	[timem:s7], [sflag:s23] =	dma.local [hbm:s5], s21  }
0x16: {  	_ =	swait.ge [sflag:s23], s21  }
0x17: {  	s4 =	ssub.s32 $0x0, s21;
	[sflag:s23] =	ssyncset.done $0x0  }
0x18: {  	[sflag:s23] =	ssyncadd.s32 s4;
	_ =	sdelay $0x1  }
0x19: {  	s24 =	simm.s32 $0x1B8B  }
0x1a: {  	_ =	swait.ge [sflag:s24], $0x1  }
0x1b: {  	[sflag:s24] =	ssyncset.done $0x0  }
0x1c: {  	s26 =	simm.s32 $0x1B8E;
	s25 =	sld [smem:$0x3FFE];
	[sflag:s24] =	ssyncadd.s32 $0xFFFFFFFF  }
0x1d: {  	s27 =	simm.s32 $execute0_lowered;
	[smem:$0x3FD2] =	sst s26  }
0x1e: {  	s5 =	sshll.u32 s27, $0x1;
	_ =	strace $0x80000046;
	[dreg:$0x1] =	wrdreg $0xFFFFFFFF  }
0x1f: {  	s28 =	simm.s32 $_size_execute0_lowered;
	s3 =	sadd.s32 s3, s5;
	[dreg:$0x0] =	wrdreg $0x0  }
0x20: {  	s5 =	sshll.u32 s28, $0x1;
	[dreg:$0x2] =	wrdreg s3  }
0x21: {  	[dreg:$0x3] =	wrdreg s5  }
0x22: {  	[dreg:$0x4] =	wrdreg $0xC0  }
0x23: {  	_ =	task [dreg:s7], $0x5FFFF  }
0x24: {  	[dreg:$0x1] =	wrdreg $0xFFFFFFFF  }
0x25: {  	[dreg:$0x0] =	wrdreg $0x60  }
0x26: {  	[dreg:$0x2] =	wrdreg s25  }
0x27: {  	[dreg:$0x3] =	wrdreg s2  }
0x28: {  	[dreg:$0x4] =	wrdreg $0x9  }
0x29: {  	_ =	task.clear_ibuf [dreg:s7], $0x5FFFF;
	_ =	strace $0x90000046  }
0x2a: {  	s29 =	simm.s32 $0x9;
	_ =	strace $0x80000048  }
0x2b: {  	_ =	swait.ge [sflag:s29], $0x1  }
0x2c: {  	[sflag:s29] =	ssyncadd.s32 $0xFFFFFFFF  }
0x2d: {  	_ =	strace $0x90000048  }
0x2e: {  	_ =	sfence  }
0x2f: {  	s30 =	sld [smem:$0x0];
	_ =	sdelay $0x2  }
0x30: {  	s31 =	sshll.u32 s1, $0xD;
	s1 =	sshrl.u32 s1, $0x2  }
0x31: {  	s3 =	sand.u32 $0x4000, s31;
	s1 =	sadd.s32 s1, s30  }
0x32: {  	s0 =	sor.u32 s3, s0;
	s1 =	sshll.u32 s1, $0x11  }
0x33: {  	s0 =	sor.u32 s1, s0  }
0x34: {  	s0 =	sadd.s32 $0x8F2B, s0  }
0x35: {  	[sflag:s0] =	ssyncadd.remote.s32 $0x1  }
0x36: {  	_ =	sfence.sel $0xFFFF  }
0x37: {  	[dreg:$0x0] =	wrdreg $0xFFFFFFFF;
	(pc) =	sbr.abs _section_cstart, $3  }
0x38: {  	[dreg:$0x1] =	wrdreg $0xFFFFFFFF  }
0x39: {  	_ =	task.clear_ibuf [dreg:s7], $0x2FFFF;
	_ =	strace $0x9FFFFFFF  }
0x3a: {  	(tm) =	ssettm $0x7FFFFFFF  }
0x3b: {  	_ =	shalt  }
tec
execute0_lowered:
.L_overlay_start_1:
0x0: {  	(tag) =	ssettag $0x1  }
0x1: {  	s0 =	srdreg.scid  }
0x2: {  	s1 =	sshll.u32 s0, $0x4  }
0x3: {  	s4 =	rddreg [dreg:$0x0];
	s0 =	stileid.u32;
	s1 =	sand.u32 $0x10, s1  }
0x4: {  	s2 =	rddreg [dreg:$0x1];
	s7 =	simm.s32 $0x1;
	s1 =	sor.u32 s0, s1  }
0x5: {  	s8 =	simm.s32 $0x2;
	s11 =	simm.s32 $0x0;
	s3 =	sshll.u32 s1, $0x7  }
0x6: {  	s10 =	simm.s32 $0x0;
	s4 =	sadd.s32 $0x800, s4;
	s6 =	ssub.s32 $0x30D400, s3  }
.Ltmp0:
0x7: {  	s1 =	rddreg [dreg:$0x2];
	s5 =	sand.u32 $0xF80, s6;
	(pc) =	sbr.rel .LBB1_1-.Ltmp0, $4  }
0x8: {  	_ =	strace $0x80000047;
	s9 =	smov.u32 s3;
	p0 =	sne.s32 s5, $0x0  }
0x9: {  	s6 =	sshrl.u32 s6, $0xC;
	s5 =	simm.s32 $0x1;
	s7 =	simm.s32 @!p0 $0x0  }
0xa: {  	[sflag:s5] =	ssyncpa.u1 $0x0;
	p0 =	por $0x0, $0x0;
	s6 =	sadd.s32 s7, s6  }
0xb: {  	[sflag:s8] =	ssyncpa.u1 $0x0;
	s8 =	simm.s32 $0x186A000;
	s7 =	sadd.s32 $0x1, s6  }
.LBB1_4:
0xc: {  	s14 =	sshll.u32 s11, $0x3  }
0xd: {  	s15 =	sshrl.u32 s14, $0xA  }
0xe: {  	s15 =	smulhi.u32 $0x53E2D7, s15;
	_ =	sdelay $0x1  }
0xf: {  	s15 =	sshrl.u32 s15, $0x2  }
0x10: {  	s28 =	sand.u32 $0x7F, s11;
	s14 =	sand.u32 $0xFFFFFC00, s14;
	s16 =	smul.u32 $0x30D400, s15  }
0x11: {  	s11 =	sor.u32 s28, s14;
	s29 =	sand.u32 $0x1F, s15  }
0x12: {  	s14 =	smul.u32 $0x61A80, s29;
	s11 =	ssub.s32 s11, s16  }
0x13: {  	s30 =	sand.u32 $0x7, s11  }
0x14: {  	s11 =	sshrl.u32 s11, $0x3;
	s14 =	sadd.s32 s2, s14;
	s15 =	sshll.u32 s30, $0x12  }
0x15: {  	[tilespmem:s13+$0x0 ss:$0x81] =	vst.msk $0xffff, v0;
	s11 =	sadd.s32 s11, s14;
	s31 =	sor.u32 $0x400, s15  }
0x16: {  	[hbm4b:s11+s31] =	stream.strided.scatter [tilespmem:s12], [sflag:$0x2], $0x1000, s8, s31, $0x20;
	[tilespmem:$0x4040] =	vst v63  }
.LBB1_5:
0x17: {  	s13 =	sadd.s32 $0x1000, s9  }
0x18: {  	p2 =	sgt.s32 s13, $0x30D3FF  }
0x19: {  	s13 =	smov.u32 @p2 s3;
	p2 =	sne.s32 s10, s7  }
.Ltmp1:
0x1a: {  	p1 =	slt.u32 s10, $0x2;
	(pc) =	sbr.rel @!p2 .LBB1_6-.Ltmp1, $4  }
0x1b: {  	s12 =	simm.s32 @!p1 $0x2  }
0x1c: {  	s14 =	sadd.s32 $0x1, s10;
	_ =	swait.ge @!p1 [sflag:s12], $0x1000  }
0x1d: {  	s11 =	smov.u32 s9;
	p0 =	por !p0, !p0;
	[sflag:s12] =	ssyncset.done @!p1 $0x0  }
0x1e: {  	s10 =	smov.u32 s14;
	s9 =	smov.u32 s13;
	[sflag:s12] =	ssyncadd.s32 @!p1 $0xFFFFF000  }
.LBB1_1:
0x1f: {  	p1 =	sge.u32 s10, s6  }
0x20: {  	s12 =	sand.u32 @!p1 $0x1FFFFFF, s9  }
0x21: {  	s13 =	smulhi.u32 @!p1 $0x14F8B59, s12;
	_ =	sdelay $0x1  }
0x22: {  	s13 =	sshrl.u32 @!p1 s13, $0xE  }
0x23: {  	s13 =	smul.u32 @!p1 $0x30D400, s13;
	_ =	sdelay $0x1  }
0x24: {  	s31 =	sadd.s32 $0xFFFFFFFF, s10;
	s14 =	sxor.u32 @!p1 $0xFFFFFFFF, s10;
	s12 =	ssub.s32 @!p1 s12, s13  }
0x25: {  	s15 =	simm.s32 @!p1 $0x80;
	s14 =	sshll.u32 @!p1 s14, $0xC;
	s12 =	sshll.u32 @!p1 s12, $0x4  }
0x26: {  	s13 =	sand.u32 @!p1 $0x1000, s14;
	s14 =	simm.s32 @!p1 $0x20;
	s12 =	sadd.s32 @!p1 s4, s12  }
0x27: {  	[tilespmem:s13], [sflag:$0x1] =	stream.strided.gather @!p1 [hbm4b:s12+s14], $0x1000, s15, s14, $0x38;
	[tilespmem:$0x4040] =	vst v63  }
0x28: {  	p1 =	sge.u32 s31, s6  }
.Ltmp2:
0x29: {  	_ = 	snop;
	(pc) =	sbr.rel @p1 .LBB1_5-.Ltmp2, $1  }
0x2a: {  	_ =	sdelay $0x3  }
0x2b: {  	s12 =	simm.s32 $0x1  }
0x2c: {  	_ =	swait.ge [sflag:s5], $0x1000;
	s12 =	simm.s32 @!p0 $0x0  }
0x2d: {  	[sflag:s5] =	ssyncset.done $0x0;
	s13 =	sshll.u32 s12, $0xC  }
0x2e: {  	[sflag:s5] =	ssyncadd.s32 $0xFFFFF000;
	s16 =	sor.u32 $0x10, s13  }
0x2f: {  	s12 =	smul.u32 $0x4080, s12;
	v1 =	vld [tilespmem:s16+$0x0]  }
0x30: {  	s30 =	sand.u32 $0x1, s10;
	v0 =	vld [tilespmem:s16+$0xFFFFFFF0]  }
0x31: {  	s13 =	smul.u32 $0x4080, s30;
	s12 =	sshrl.u32 s12, $0x2  }
0x32: {  	s14 =	sor.u32 $0x2000, s12  }
0x33: {  	s31 =	sshrl.u32 s13, $0x2;
	s13 =	sadd.s32 $0x0, s14  }
0x34: {  	s15 =	simm.s32 $0x4;
	s16 =	sadd.s32 $0x20, s16;
	s12 =	sor.u32 $0x2000, s31;
	[tilespmem:s13+$0x810 ss:$0x81] =	vst.msk $0xffff, v1  }
.LBB1_3:
0x35: {  	v1 =	vld [tilespmem:s16+$0x0];
	p1 =	sne.s32 s15, $0x1FC;
	[tilespmem:s13+$0x0 ss:$0x81] =	vst.msk $0xffff, v0;
	s13 =	smov.u32 s15;
	s15 =	sadd.s32 $0x4, s15  }
.Ltmp3:
0x36: {  	v0 =	vld [tilespmem:s16+$0xFFFFFFF0];
	(pc) =	sbr.rel @p1 .LBB1_3-.Ltmp3, $4  }
0x37: {  	_ = 	snop  }
0x38: {  	s13 =	sshra.s32 s13, $0x2  }
0x39: {  	s13 =	sadd.s32 s13, s14  }
0x3a: {  	s16 =	sadd.s32 $0x20, s16;
	[tilespmem:s13+$0x810 ss:$0x81] =	vst.msk $0xffff, v1  }
.Ltmp4:
0x3b: {  	_ = 	snop;
	(pc) =	sbr.rel .LBB1_4-.Ltmp4, $1  }
0x3c: {  	_ =	sdelay $0x3  }
.LBB1_6:
0x3d: {  	_ =	sfence.sel $0x180000  }
0x3e: {  	s2 =	simm.s32 $0x1;
	[bflag:$0x0] =	sbarrier.arrive $0xFFFF  }
0x3f: {  	s31 =	simm.s32 $0x2;
	[sflag:s2] =	ssyncpa.u1 $0x1  }
0x40: {  	[sflag:s31] =	ssyncpa.u1 $0x1  }
0x41: {  	p0 =	sne.s32 s0, $0x0;
	_ =	strace $0x90000047  }
0x42: {  	s0 =	sadd.s32 @!p0 $0x100000, s1;
	[bflag:$0x2] =	sbarrier.arrive $0xFFFF  }
0x43: {  	[sflag:s0] =	ssyncadd.tile.s32 @!p0 $0x1;
	_ =	shalt  }
.Lfunc_end1:
_tile_overlayer_lowered:
.L_overlay_start_2:
0x44: {  	(tag) =	ssettag $0x2  }
0x45: {  	s0 =	rddreg [dreg:$0x0];
	s2 =	stileid.u32  }
0x46: {  	s1 =	rddreg [dreg:$0x1];
	p0 =	sne.s32 s2, $0x0  }
0x47: {  	s3 =	rddreg [dreg:$0x2];
	[bflag:$0x3] =	sbarrier.arrive $0xFFFF;
	s2 =	simm.s32 @!p0 $0x1C01  }
0x48: {  	[timem:s3], [sflag:s2] =	dma.local @!p0 [hbm:s0], s1  }
0x49: {  	s0 =	simm.s32 @!p0 $0x1  }
0x4a: {  	_ =	swait.ge @!p0 [sflag:s0], s1  }
0x4b: {  	s1 =	ssub.s32 @!p0 $0x0, s1;
	[sflag:s0] =	ssyncset.done @!p0 $0x0  }
0x4c: {  	[sflag:s0] =	ssyncadd.s32 @!p0 s1  }
0x4d: {  	[bflag:$0x3] =	sbarrier.arrive $0xFFFF  }
0x4e: {  	_ =	shalt  }

</sc_bundles>
